<compile_context>
chip_gen: v7x
topology: tpu7x:2x2x1
jax: 0.10.2.dev20260603
libtpu: 0.0.44.dev20260713+nightly
codegen_flags: <defaults>
</compile_context>

<pallas_src>
import functools

import jax
import jax.numpy as jnp
from jax import lax
from jax.experimental import pallas as pl
from jax.experimental.pallas import tpu as pltpu
from jax.experimental.pallas import tpu_sc as plsc

_K = 512
_D = 128
_G = 4
_C = _D // _G
_BETA = 0.5
_BR = 1024

_NW = 32
_CH = 2048


def _vq_tc_kernel(z_ref, cb2_ref, idx_ref, sse_ref, esq_ref):
    step = pl.program_id(0)

    @pl.when(step == 0)
    def _():
        for g in range(_G):
            E2 = cb2_ref[g]
            esq_ref[g, :] = 0.25 * jnp.sum(E2 * E2, axis=1)

    sse = jnp.zeros((1, 1), jnp.float32)
    for g in range(_G):
        zi = z_ref[:, g * _C:(g + 1) * _C]
        E2 = cb2_ref[g]
        a = jnp.sum(zi * zi, axis=1, keepdims=True)
        esq = esq_ref[g, :][None, :]
        mm2 = jax.lax.dot_general(
            zi, E2, (((1,), (1,)), ((), ())),
            precision=jax.lax.Precision.DEFAULT,
            preferred_element_type=jnp.float32)
        d = (a + esq) - mm2
        dmin = jnp.min(d, axis=1, keepdims=True)
        iota = jax.lax.broadcasted_iota(
            jnp.int32, d.shape, 1).astype(jnp.float32)
        idxf = jnp.min(jnp.where(d == dmin, iota, float(_G * _K)), axis=1,
                       keepdims=True)
        idx_ref[:, g:g + 1] = idxf.astype(jnp.int32) + g * _K
        sse = sse + jnp.sum(dmin).reshape(1, 1)

    @pl.when(step == 0)
    def _():
        sse_ref[...] = jnp.zeros((1, 1), jnp.float32)

    sse_ref[...] += sse


def _tc_indices(zr, codebooks, n):
    grid = (n // _BR,)
    return pl.pallas_call(
        _vq_tc_kernel,
        grid=grid,
        in_specs=[
            pl.BlockSpec((_BR, _D), lambda i: (i, 0)),
            pl.BlockSpec((_G, _K, _C), lambda i: (0, 0, 0)),
        ],
        out_specs=[
            pl.BlockSpec((_BR, _G), lambda i: (i, 0)),
            pl.BlockSpec((1, 1), lambda i: (0, 0)),
        ],
        out_shape=[
            jax.ShapeDtypeStruct((n, _G), jnp.int32),
            jax.ShapeDtypeStruct((1, 1), jnp.float32),
        ],
        scratch_shapes=[pltpu.VMEM((_G, _K), jnp.float32)],
    )(zr, codebooks * 2.0)


def _make_sc_gather(nrows):
    b_per_w = nrows // _NW
    nch = b_per_w // _CH
    mesh = plsc.VectorSubcoreMesh(core_axis_name="c", subcore_axis_name="s")

    @functools.partial(
        pl.kernel, mesh=mesh,
        out_type=jax.ShapeDtypeStruct((nrows, _C), jnp.float32),
        compiler_params=pltpu.CompilerParams(use_tc_tiling_on_sc=False),
        scratch_types=[
            pltpu.VMEM((nch, _CH), jnp.int32),
            pltpu.VMEM((_CH, _C), jnp.float32),
            pltpu.SemaphoreType.DMA,
        ],
    )
    def gather(idx_hbm, table_hbm, out_hbm, idx_v, rows_v, sem):
        wid = lax.axis_index("s") * 2 + lax.axis_index("c")
        base = wid * b_per_w
        pltpu.sync_copy(idx_hbm.at[wid], idx_v)
        for j in range(nch):
            pltpu.async_copy(table_hbm.at[idx_v.at[j]], rows_v, sem).wait()
            pltpu.sync_copy(rows_v, out_hbm.at[pl.ds(base + j * _CH, _CH)])

    return gather


def kernel(z, codebooks):
    n = z.shape[0] * z.shape[1]
    zr = z.reshape(n, _D)
    gidx, sse = _tc_indices(zr, codebooks, n)
    nrows = n * _G
    table = codebooks.reshape(_G * _K, _C)
    idx3 = gidx.reshape(_NW, (nrows // _NW) // _CH, _CH)
    out = _make_sc_gather(nrows)(idx3, table)
    loss = (sse[0, 0] * ((1.0 + _BETA) / (n * _D))).astype(jnp.float32)
    return (out.reshape(n, _D), loss)

# --- scband reference (transcript-rebuilt; emitter-appended) ---
"""Pipeline reference for scband-vector-quantizer-g-84980222919423 (READ-ONLY COPY).

The authoritative reference and input builder live on the scoring server;
editing this copy changes nothing except your own understanding.
"""

import jax, jax.numpy as jnp
import numpy as np

K = 512
D = 128
G = 4
C = D // G
BETA = 0.5


def setup_inputs(seed: int = 0) -> dict:
    key = jax.random.key(seed)
    k1, k2 = jax.random.split(key)
    z = jax.random.normal(k1, (32, 1024, 128), dtype=jnp.float32)
    codebooks = jax.random.uniform(k2, (G, K, C), dtype=jnp.float32, minval=-1.0 / K, maxval=1.0 / K)
    return {"z": z, "codebooks": codebooks}


def reference(z, codebooks):
    zf = z.reshape(-1, G, C)
    zqs = []
    losses = []
    for i in range(G):
        zi = zf[:, i]
        E = codebooks[i]
        d = jnp.sum(zi ** 2, axis=1, keepdims=True) + jnp.sum(E ** 2, axis=1) - 2.0 * jnp.matmul(zi, E.T)
        idx = jnp.argmin(d, axis=1)
        zq = jnp.take(E, idx, axis=0)
        loss = BETA * jnp.mean((jax.lax.stop_gradient(zq) - zi) ** 2) + jnp.mean((zq - jax.lax.stop_gradient(zi)) ** 2)
        zq = zi + jax.lax.stop_gradient(zq - zi)
        zqs.append(zq)
        losses.append(loss)
    zq_full = jnp.concatenate(zqs, axis=1)
    loss_full = jnp.mean(jnp.stack(losses))
    return (zq_full, loss_full)

if __name__ == "__main__":
    import jax
    _d = setup_inputs()
    print(jax.jit(kernel)(*tuple(_d.values())))

</pallas_src>

<mosaic_0001>
#map = affine_map<(d0, d1) -> (0, 0, 0)>
#map1 = affine_map<(d0, d1) -> (0, 0)>
module attributes {stable_mosaic.version = 14 : i64} {
  func.func @gather(%arg0: i32, %arg1: i32, %arg2: memref<32x2x2048xi32, #tpu.memory_space<hbm>>, %arg3: memref<2048x32xf32, #tpu.memory_space<hbm>>, %arg4: memref<131072x32xf32, #tpu.memory_space<hbm>>, %arg5: memref<2x2048xi32, #tpu.memory_space<vmem>>, %arg6: memref<2048x32xf32, #tpu.memory_space<vmem>>, %arg7: memref<!tpu.dma_semaphore, #tpu.memory_space<semaphore_mem>>) attributes {dimension_semantics = [#tpu.dimension_semantics<core_parallel>, #tpu.dimension_semantics<subcore_parallel>], iteration_bounds = array<i64: 2, 16>, scalar_prefetch = 0 : i64, scratch_operands = 3 : i64, tpu.core_type = #tpu.core_type<sc_vector_subcore>, window_params = [{transform_indices = #map}, {transform_indices = #map1}, {transform_indices = #map1}]} {
    %mul3A = arith.constant 2 : i32
    %mul3A_0 = arith.muli %arg1, %mul3A : i32
    %add3A = arith.addi %mul3A_0, %arg0 : i32
    %mul3A_1 = arith.constant 4096 : i32
    %mul3A_2 = arith.muli %add3A, %mul3A_1 : i32
    "tpu.region"() ({
      %run_scoped3A = tpu.sem_alloc : memref<!tpu.dma_semaphore, #tpu.memory_space<semaphore_mem>>
      %dma_start3A_33 = arith.constant 0 : i32
      %dma_start3A_34 = arith.constant 0 : i32
      %dma_start3A_35 = tpu.memref_slice %arg2[%add3A, %dma_start3A_33, %dma_start3A_34] : memref<32x2x2048xi32, #tpu.memory_space<hbm>> -> memref<1x2x2048xi32, #tpu.memory_space<hbm>>
      %dma_start3A_36 = tpu.memref_squeeze %dma_start3A_35 : memref<1x2x2048xi32, #tpu.memory_space<hbm>> -> memref<2x2048xi32, #tpu.memory_space<hbm>>
      %dma_start3A_37 = arith.constant 0 : i32
      %dma_start3A_38 = arith.constant 0 : i32
      %dma_start3A_39 = tpu.memref_slice %arg2[%add3A, %dma_start3A_37, %dma_start3A_38] : memref<32x2x2048xi32, #tpu.memory_space<hbm>> -> memref<1x2x2048xi32, #tpu.memory_space<hbm>>
      %dma_start3A_40 = tpu.memref_squeeze %dma_start3A_39 : memref<1x2x2048xi32, #tpu.memory_space<hbm>> -> memref<2x2048xi32, #tpu.memory_space<hbm>>
      tpu.enqueue_dma source(%dma_start3A_40 : memref<2x2048xi32, #tpu.memory_space<hbm>>) target(%arg5 : memref<2x2048xi32, #tpu.memory_space<vmem>>) target_semaphore(%run_scoped3A : memref<!tpu.dma_semaphore, #tpu.memory_space<semaphore_mem>>)
      %dma_wait3A_41 = arith.constant 0 : i32
      %dma_wait3A_42 = arith.constant 0 : i32
      %dma_wait3A_43 = tpu.memref_slice %arg2[%add3A, %dma_wait3A_41, %dma_wait3A_42] : memref<32x2x2048xi32, #tpu.memory_space<hbm>> -> memref<1x2x2048xi32, #tpu.memory_space<hbm>>
      %dma_wait3A_44 = tpu.memref_squeeze %dma_wait3A_43 : memref<1x2x2048xi32, #tpu.memory_space<hbm>> -> memref<2x2048xi32, #tpu.memory_space<hbm>>
      %dma_wait3A_45 = arith.constant 0 : i32
      %dma_wait3A_46 = arith.constant 0 : i32
      %dma_wait3A_47 = tpu.memref_slice %arg2[%add3A, %dma_wait3A_45, %dma_wait3A_46] : memref<32x2x2048xi32, #tpu.memory_space<hbm>> -> memref<1x2x2048xi32, #tpu.memory_space<hbm>>
      %dma_wait3A_48 = tpu.memref_squeeze %dma_wait3A_47 : memref<1x2x2048xi32, #tpu.memory_space<hbm>> -> memref<2x2048xi32, #tpu.memory_space<hbm>>
      tpu.wait_dma2 semaphore(%run_scoped3A : memref<!tpu.dma_semaphore, #tpu.memory_space<semaphore_mem>>) src(%dma_wait3A_48 : memref<2x2048xi32, #tpu.memory_space<hbm>>) dst(%arg5 : memref<2x2048xi32, #tpu.memory_space<vmem>>)
      tpu.yield
    }) : () -> ()
    %dma_start3A = arith.constant 0 : i32
    %dma_start3A_3 = arith.constant 0 : i32
    %dma_start3A_4 = tpu.memref_slice %arg5[%dma_start3A, %dma_start3A_3] : memref<2x2048xi32, #tpu.memory_space<vmem>> -> memref<1x2048xi32, #tpu.memory_space<vmem>>
    %dma_start3A_5 = tpu.memref_squeeze %dma_start3A_4 : memref<1x2048xi32, #tpu.memory_space<vmem>> -> memref<2048xi32, #tpu.memory_space<vmem>>
    %dma_start3A_6 = arith.constant 0 : i32
    %dma_start3A_7 = arith.constant 0 : i32
    %dma_start3A_8 = tpu.memref_slice %arg3[%dma_start3A_6, %dma_start3A_7] : memref<2048x32xf32, #tpu.memory_space<hbm>> -> memref<2048x32xf32, #tpu.memory_space<hbm>>
    tpu.enqueue_indirect_dma source(%dma_start3A_8 : memref<2048x32xf32, #tpu.memory_space<hbm>>) target(%arg6 : memref<2048x32xf32, #tpu.memory_space<vmem>>) offsets(%dma_start3A_5 : memref<2048xi32, #tpu.memory_space<vmem>>) semaphore(%arg7 : memref<!tpu.dma_semaphore, #tpu.memory_space<semaphore_mem>>)
    %dma_wait3A = arith.constant 0 : i32
    %dma_wait3A_9 = arith.constant 0 : i32
    %dma_wait3A_10 = tpu.memref_slice %arg5[%dma_wait3A, %dma_wait3A_9] : memref<2x2048xi32, #tpu.memory_space<vmem>> -> memref<1x2048xi32, #tpu.memory_space<vmem>>
    %dma_wait3A_11 = tpu.memref_squeeze %dma_wait3A_10 : memref<1x2048xi32, #tpu.memory_space<vmem>> -> memref<2048xi32, #tpu.memory_space<vmem>>
    %dma_wait3A_12 = arith.constant 0 : i32
    %dma_wait3A_13 = arith.constant 0 : i32
    %dma_wait3A_14 = tpu.memref_slice %arg3[%dma_wait3A_12, %dma_wait3A_13] : memref<2048x32xf32, #tpu.memory_space<hbm>> -> memref<2048x32xf32, #tpu.memory_space<hbm>>
    tpu.wait_indirect_dma semaphore(%arg7 : memref<!tpu.dma_semaphore, #tpu.memory_space<semaphore_mem>>) src(%dma_wait3A_14 : memref<2048x32xf32, #tpu.memory_space<hbm>>) dst(%arg6 : memref<2048x32xf32, #tpu.memory_space<vmem>>)
    %add3A_15 = arith.constant 0 : i32
    %add3A_16 = arith.addi %mul3A_2, %add3A_15 : i32
    "tpu.region"() ({
      %run_scoped3A = tpu.sem_alloc : memref<!tpu.dma_semaphore, #tpu.memory_space<semaphore_mem>>
      %dma_start3A_33 = arith.constant 0 : i32
      %dma_start3A_34 = tpu.memref_slice %arg4[%add3A_16, %dma_start3A_33] : memref<131072x32xf32, #tpu.memory_space<hbm>> -> memref<2048x32xf32, #tpu.memory_space<hbm>>
      %dma_start3A_35 = arith.constant 0 : i32
      %dma_start3A_36 = tpu.memref_slice %arg4[%add3A_16, %dma_start3A_35] : memref<131072x32xf32, #tpu.memory_space<hbm>> -> memref<2048x32xf32, #tpu.memory_space<hbm>>
      tpu.enqueue_dma source(%arg6 : memref<2048x32xf32, #tpu.memory_space<vmem>>) target(%dma_start3A_36 : memref<2048x32xf32, #tpu.memory_space<hbm>>) target_semaphore(%run_scoped3A : memref<!tpu.dma_semaphore, #tpu.memory_space<semaphore_mem>>)
      %dma_wait3A_37 = arith.constant 0 : i32
      %dma_wait3A_38 = tpu.memref_slice %arg4[%add3A_16, %dma_wait3A_37] : memref<131072x32xf32, #tpu.memory_space<hbm>> -> memref<2048x32xf32, #tpu.memory_space<hbm>>
      %dma_wait3A_39 = arith.constant 0 : i32
      %dma_wait3A_40 = tpu.memref_slice %arg4[%add3A_16, %dma_wait3A_39] : memref<131072x32xf32, #tpu.memory_space<hbm>> -> memref<2048x32xf32, #tpu.memory_space<hbm>>
      tpu.wait_dma2 semaphore(%run_scoped3A : memref<!tpu.dma_semaphore, #tpu.memory_space<semaphore_mem>>) src(%arg6 : memref<2048x32xf32, #tpu.memory_space<vmem>>) dst(%dma_wait3A_40 : memref<2048x32xf32, #tpu.memory_space<hbm>>)
      tpu.yield
    }) : () -> ()
    %dma_start3A_17 = arith.constant 1 : i32
    %dma_start3A_18 = arith.constant 0 : i32
    %dma_start3A_19 = tpu.memref_slice %arg5[%dma_start3A_17, %dma_start3A_18] : memref<2x2048xi32, #tpu.memory_space<vmem>> -> memref<1x2048xi32, #tpu.memory_space<vmem>>
    %dma_start3A_20 = tpu.memref_squeeze %dma_start3A_19 : memref<1x2048xi32, #tpu.memory_space<vmem>> -> memref<2048xi32, #tpu.memory_space<vmem>>
    %dma_start3A_21 = arith.constant 0 : i32
    %dma_start3A_22 = arith.constant 0 : i32
    %dma_start3A_23 = tpu.memref_slice %arg3[%dma_start3A_21, %dma_start3A_22] : memref<2048x32xf32, #tpu.memory_space<hbm>> -> memref<2048x32xf32, #tpu.memory_space<hbm>>
    tpu.enqueue_indirect_dma source(%dma_start3A_23 : memref<2048x32xf32, #tpu.memory_space<hbm>>) target(%arg6 : memref<2048x32xf32, #tpu.memory_space<vmem>>) offsets(%dma_start3A_20 : memref<2048xi32, #tpu.memory_space<vmem>>) semaphore(%arg7 : memref<!tpu.dma_semaphore, #tpu.memory_space<semaphore_mem>>)
    %dma_wait3A_24 = arith.constant 1 : i32
    %dma_wait3A_25 = arith.constant 0 : i32
    %dma_wait3A_26 = tpu.memref_slice %arg5[%dma_wait3A_24, %dma_wait3A_25] : memref<2x2048xi32, #tpu.memory_space<vmem>> -> memref<1x2048xi32, #tpu.memory_space<vmem>>
    %dma_wait3A_27 = tpu.memref_squeeze %dma_wait3A_26 : memref<1x2048xi32, #tpu.memory_space<vmem>> -> memref<2048xi32, #tpu.memory_space<vmem>>
    %dma_wait3A_28 = arith.constant 0 : i32
    %dma_wait3A_29 = arith.constant 0 : i32
    %dma_wait3A_30 = tpu.memref_slice %arg3[%dma_wait3A_28, %dma_wait3A_29] : memref<2048x32xf32, #tpu.memory_space<hbm>> -> memref<2048x32xf32, #tpu.memory_space<hbm>>
    tpu.wait_indirect_dma semaphore(%arg7 : memref<!tpu.dma_semaphore, #tpu.memory_space<semaphore_mem>>) src(%dma_wait3A_30 : memref<2048x32xf32, #tpu.memory_space<hbm>>) dst(%arg6 : memref<2048x32xf32, #tpu.memory_space<vmem>>)
    %add3A_31 = arith.constant 2048 : i32
    %add3A_32 = arith.addi %mul3A_2, %add3A_31 : i32
    "tpu.region"() ({
      %run_scoped3A = tpu.sem_alloc : memref<!tpu.dma_semaphore, #tpu.memory_space<semaphore_mem>>
      %dma_start3A_33 = arith.constant 0 : i32
      %dma_start3A_34 = tpu.memref_slice %arg4[%add3A_32, %dma_start3A_33] : memref<131072x32xf32, #tpu.memory_space<hbm>> -> memref<2048x32xf32, #tpu.memory_space<hbm>>
      %dma_start3A_35 = arith.constant 0 : i32
      %dma_start3A_36 = tpu.memref_slice %arg4[%add3A_32, %dma_start3A_35] : memref<131072x32xf32, #tpu.memory_space<hbm>> -> memref<2048x32xf32, #tpu.memory_space<hbm>>
      tpu.enqueue_dma source(%arg6 : memref<2048x32xf32, #tpu.memory_space<vmem>>) target(%dma_start3A_36 : memref<2048x32xf32, #tpu.memory_space<hbm>>) target_semaphore(%run_scoped3A : memref<!tpu.dma_semaphore, #tpu.memory_space<semaphore_mem>>)
      %dma_wait3A_37 = arith.constant 0 : i32
      %dma_wait3A_38 = tpu.memref_slice %arg4[%add3A_32, %dma_wait3A_37] : memref<131072x32xf32, #tpu.memory_space<hbm>> -> memref<2048x32xf32, #tpu.memory_space<hbm>>
      %dma_wait3A_39 = arith.constant 0 : i32
      %dma_wait3A_40 = tpu.memref_slice %arg4[%add3A_32, %dma_wait3A_39] : memref<131072x32xf32, #tpu.memory_space<hbm>> -> memref<2048x32xf32, #tpu.memory_space<hbm>>
      tpu.wait_dma2 semaphore(%run_scoped3A : memref<!tpu.dma_semaphore, #tpu.memory_space<semaphore_mem>>) src(%arg6 : memref<2048x32xf32, #tpu.memory_space<vmem>>) dst(%dma_wait3A_40 : memref<2048x32xf32, #tpu.memory_space<hbm>>)
      tpu.yield
    }) : () -> ()
    return
  }
}

module attributes {stable_mosaic.version = 14 : i64} {
  func.func @_vq_tc_kernel(%arg0: i32, %arg1: memref<1024x128xf32, #tpu.memory_space<vmem>>, %arg2: memref<4x512x32xf32, #tpu.memory_space<vmem>>, %arg3: memref<1024x4xi32, #tpu.memory_space<vmem>>, %arg4: memref<1x1xf32, #tpu.memory_space<vmem>>, %arg5: memref<4x512xf32, #tpu.memory_space<vmem>>) attributes {dimension_semantics = [#tpu.dimension_semantics<arbitrary>], iteration_bounds = array<i64: 32>, scalar_prefetch = 0 : i64, scratch_operands = 1 : i64, tpu.core_type = #tpu.core_type<tc>, window_params = [{transform_indices = @transform_0, window_bounds = array<i64: 1024, 128>}, {pipeline_mode = #tpu.pipeline_mode<synchronous>, transform_indices = @transform_1, window_bounds = array<i64: 4, 512, 32>}, {transform_indices = @transform_2, window_bounds = array<i64: 1024, 4>}, {pipeline_mode = #tpu.pipeline_mode<synchronous>, transform_indices = @transform_3, window_bounds = array<i64: 1, 1>}]} {
    %eq3A = arith.constant 0 : i32
    %eq3A_0 = arith.cmpi eq, %arg0, %eq3A : i32
    %convert_element_type3A = arith.extui %eq3A_0 : i1 to i32
    %cond3A = arith.constant 0 : i32
    %cond3A_1 = arith.cmpi ne, %convert_element_type3A, %cond3A : i32
    scf.if %cond3A_1 {
      %get3A_203 = arith.constant 0 : index
      %get3A_204 = arith.constant 0 : index
      %get3A_205 = arith.constant 0 : index
      %get3A_206 = vector.load %arg2[%get3A_203, %get3A_204, %get3A_205] : memref<4x512x32xf32, #tpu.memory_space<vmem>>, vector<1x512x32xf32>
      %get3A_207 = vector.shape_cast %get3A_206 : vector<1x512x32xf32> to vector<512x32xf32>
      %mul3A_208 = arith.mulf %get3A_207, %get3A_207 : vector<512x32xf32>
      %reduce_sum3A_209 = arith.constant dense<0.000000e+00> : vector<512xf32>
      %reduce_sum3A_210 = vector.multi_reduction <add>, %mul3A_208, %reduce_sum3A_209 [1] : vector<512x32xf32> to vector<512xf32>
      %mul3A_211 = arith.constant 2.500000e-01 : f32
      %mul3A_212 = vector.broadcast %mul3A_211 : f32 to vector<512xf32>
      %mul3A_213 = arith.mulf %mul3A_212, %reduce_sum3A_210 : vector<512xf32>
      %swap3A_214 = arith.constant 0 : index
      %swap3A_215 = arith.constant 0 : index
      %swap3A_216 = vector.load %arg5[%swap3A_214, %swap3A_215] : memref<4x512xf32, #tpu.memory_space<vmem>>, vector<1x512xf32>
      %swap3A_217 = vector.shape_cast %swap3A_216 : vector<1x512xf32> to vector<512xf32>
      %swap3A_218 = vector.shape_cast %mul3A_213 : vector<512xf32> to vector<1x512xf32>
      tpu.vector_store %arg5[%swap3A_214, %swap3A_215], %swap3A_218 {strides = array<i32>} : memref<4x512xf32, #tpu.memory_space<vmem>>, vector<1x512xf32>,
      %get3A_219 = arith.constant 1 : index
      %get3A_220 = arith.constant 0 : index
      %get3A_221 = arith.constant 0 : index
      %get3A_222 = vector.load %arg2[%get3A_219, %get3A_220, %get3A_221] : memref<4x512x32xf32, #tpu.memory_space<vmem>>, vector<1x512x32xf32>
      %get3A_223 = vector.shape_cast %get3A_222 : vector<1x512x32xf32> to vector<512x32xf32>
      %mul3A_224 = arith.mulf %get3A_223, %get3A_223 : vector<512x32xf32>
      %reduce_sum3A_225 = arith.constant dense<0.000000e+00> : vector<512xf32>
      %reduce_sum3A_226 = vector.multi_reduction <add>, %mul3A_224, %reduce_sum3A_225 [1] : vector<512x32xf32> to vector<512xf32>
      %mul3A_227 = arith.constant 2.500000e-01 : f32
      %mul3A_228 = vector.broadcast %mul3A_227 : f32 to vector<512xf32>
      %mul3A_229 = arith.mulf %mul3A_228, %reduce_sum3A_226 : vector<512xf32>
      %swap3A_230 = arith.constant 1 : index
      %swap3A_231 = arith.constant 0 : index
      %swap3A_232 = vector.load %arg5[%swap3A_230, %swap3A_231] : memref<4x512xf32, #tpu.memory_space<vmem>>, vector<1x512xf32>
      %swap3A_233 = vector.shape_cast %swap3A_232 : vector<1x512xf32> to vector<512xf32>
      %swap3A_234 = vector.shape_cast %mul3A_229 : vector<512xf32> to vector<1x512xf32>
      tpu.vector_store %arg5[%swap3A_230, %swap3A_231], %swap3A_234 {strides = array<i32>} : memref<4x512xf32, #tpu.memory_space<vmem>>, vector<1x512xf32>,
      %get3A_235 = arith.constant 2 : index
      %get3A_236 = arith.constant 0 : index
      %get3A_237 = arith.constant 0 : index
      %get3A_238 = vector.load %arg2[%get3A_235, %get3A_236, %get3A_237] : memref<4x512x32xf32, #tpu.memory_space<vmem>>, vector<1x512x32xf32>
      %get3A_239 = vector.shape_cast %get3A_238 : vector<1x512x32xf32> to vector<512x32xf32>
      %mul3A_240 = arith.mulf %get3A_239, %get3A_239 : vector<512x32xf32>
      %reduce_sum3A_241 = arith.constant dense<0.000000e+00> : vector<512xf32>
      %reduce_sum3A_242 = vector.multi_reduction <add>, %mul3A_240, %reduce_sum3A_241 [1] : vector<512x32xf32> to vector<512xf32>
      %mul3A_243 = arith.constant 2.500000e-01 : f32
      %mul3A_244 = vector.broadcast %mul3A_243 : f32 to vector<512xf32>
      %mul3A_245 = arith.mulf %mul3A_244, %reduce_sum3A_242 : vector<512xf32>
      %swap3A_246 = arith.constant 2 : index
      %swap3A_247 = arith.constant 0 : index
      %swap3A_248 = vector.load %arg5[%swap3A_246, %swap3A_247] : memref<4x512xf32, #tpu.memory_space<vmem>>, vector<1x512xf32>
      %swap3A_249 = vector.shape_cast %swap3A_248 : vector<1x512xf32> to vector<512xf32>
      %swap3A_250 = vector.shape_cast %mul3A_245 : vector<512xf32> to vector<1x512xf32>
      tpu.vector_store %arg5[%swap3A_246, %swap3A_247], %swap3A_250 {strides = array<i32>} : memref<4x512xf32, #tpu.memory_space<vmem>>, vector<1x512xf32>,
      %get3A_251 = arith.constant 3 : index
      %get3A_252 = arith.constant 0 : index
      %get3A_253 = arith.constant 0 : index
      %get3A_254 = vector.load %arg2[%get3A_251, %get3A_252, %get3A_253] : memref<4x512x32xf32, #tpu.memory_space<vmem>>, vector<1x512x32xf32>
      %get3A_255 = vector.shape_cast %get3A_254 : vector<1x512x32xf32> to vector<512x32xf32>
      %mul3A_256 = arith.mulf %get3A_255, %get3A_255 : vector<512x32xf32>
      %reduce_sum3A_257 = arith.constant dense<0.000000e+00> : vector<512xf32>
      %reduce_sum3A_258 = vector.multi_reduction <add>, %mul3A_256, %reduce_sum3A_257 [1] : vector<512x32xf32> to vector<512xf32>
      %mul3A_259 = arith.constant 2.500000e-01 : f32
      %mul3A_260 = vector.broadcast %mul3A_259 : f32 to vector<512xf32>
      %mul3A_261 = arith.mulf %mul3A_260, %reduce_sum3A_258 : vector<512xf32>
      %swap3A_262 = arith.constant 3 : index
      %swap3A_263 = arith.constant 0 : index
      %swap3A_264 = vector.load %arg5[%swap3A_262, %swap3A_263] : memref<4x512xf32, #tpu.memory_space<vmem>>, vector<1x512xf32>
      %swap3A_265 = vector.shape_cast %swap3A_264 : vector<1x512xf32> to vector<512xf32>
      %swap3A_266 = vector.shape_cast %mul3A_261 : vector<512xf32> to vector<1x512xf32>
      tpu.vector_store %arg5[%swap3A_262, %swap3A_263], %swap3A_266 {strides = array<i32>} : memref<4x512xf32, #tpu.memory_space<vmem>>, vector<1x512xf32>,
    } else {
    }
    %broadcast_in_dim3A = arith.constant 0.000000e+00 : f32
    %broadcast_in_dim3A_2 = vector.broadcast %broadcast_in_dim3A : f32 to vector<1x1xf32>
    %get3A = arith.constant 0 : index
    %get3A_3 = arith.constant 0 : index
    %get3A_4 = vector.load %arg1[%get3A, %get3A_3] : memref<1024x128xf32, #tpu.memory_space<vmem>>, vector<1024x32xf32>
    %get3A_5 = arith.constant 0 : index
    %get3A_6 = arith.constant 0 : index
    %get3A_7 = arith.constant 0 : index
    %get3A_8 = vector.load %arg2[%get3A_5, %get3A_6, %get3A_7] : memref<4x512x32xf32, #tpu.memory_space<vmem>>, vector<1x512x32xf32>
    %get3A_9 = vector.shape_cast %get3A_8 : vector<1x512x32xf32> to vector<512x32xf32>
    %mul3A = arith.mulf %get3A_4, %get3A_4 : vector<1024x32xf32>
    %reduce_sum3A = arith.constant dense<0.000000e+00> : vector<1024xf32>
    %reduce_sum3A_10 = vector.multi_reduction <add>, %mul3A, %reduce_sum3A [1] : vector<1024x32xf32> to vector<1024xf32>
    %broadcast_in_dim3A_11 = vector.shape_cast %reduce_sum3A_10 : vector<1024xf32> to vector<1024x1xf32>
    %get3A_12 = arith.constant 0 : index
    %get3A_13 = arith.constant 0 : index
    %get3A_14 = vector.load %arg5[%get3A_12, %get3A_13] : memref<4x512xf32, #tpu.memory_space<vmem>>, vector<1x512xf32>
    %get3A_15 = vector.shape_cast %get3A_14 : vector<1x512xf32> to vector<512xf32>
    %broadcast_in_dim3A_16 = vector.shape_cast %get3A_15 : vector<512xf32> to vector<1x512xf32>
    %dot_general3A = arith.constant dense<0.000000e+00> : vector<1024x512xf32>
    %dot_general3A_17 = tpu.matmul %get3A_4, %get3A_9, %dot_general3A {dimension_numbers = #tpu.dot_dimension_numbers<[1], [1], [0], [0], [0, 0, 1, 0], [], []>, transpose_lhs_hint = false} : vector<1024x32xf32>, vector<512x32xf32>, vector<1024x512xf32> -> vector<1024x512xf32>
    %add3A = vector.broadcast %broadcast_in_dim3A_11 : vector<1024x1xf32> to vector<1024x512xf32>
    %add3A_18 = vector.broadcast %broadcast_in_dim3A_16 : vector<1x512xf32> to vector<1024x512xf32>
    %add3A_19 = arith.addf %add3A, %add3A_18 : vector<1024x512xf32>
    %sub3A = arith.subf %add3A_19, %dot_general3A_17 : vector<1024x512xf32>
    %reduce_min3A = arith.constant dense<0x7F800000> : vector<1024xf32>
    %reduce_min3A_20 = vector.multi_reduction <minimumf>, %sub3A, %reduce_min3A [1] : vector<1024x512xf32> to vector<1024xf32>
    %broadcast_in_dim3A_21 = vector.shape_cast %reduce_min3A_20 : vector<1024xf32> to vector<1024x1xf32>
    %iota3A = tpu.iota {dimensions = array<i32: 1>} : vector<1024x512xi32>
    %convert_element_type3A_22 = arith.sitofp %iota3A : vector<1024x512xi32> to vector<1024x512xf32>
    %eq3A_23 = vector.broadcast %broadcast_in_dim3A_21 : vector<1024x1xf32> to vector<1024x512xf32>
    %eq3A_24 = arith.cmpf oeq, %sub3A, %eq3A_23 : vector<1024x512xf32>
    %jit3A = arith.constant 2.048000e+03 : f32
    %broadcast_in_dim3A_25 = vector.broadcast %jit3A : f32 to vector<1024x512xf32>
    %select_n3A = arith.select %eq3A_24, %convert_element_type3A_22, %broadcast_in_dim3A_25 : vector<1024x512xi1>, vector<1024x512xf32>
    %reduce_min3A_26 = arith.constant dense<0x7F800000> : vector<1024xf32>
    %reduce_min3A_27 = vector.multi_reduction <minimumf>, %select_n3A, %reduce_min3A_26 [1] : vector<1024x512xf32> to vector<1024xf32>
    %broadcast_in_dim3A_28 = vector.shape_cast %reduce_min3A_27 : vector<1024xf32> to vector<1024x1xf32>
    %convert_element_type3A_29 = arith.fptosi %broadcast_in_dim3A_28 : vector<1024x1xf32> to vector<1024x1xi32>
    %add3A_30 = arith.constant 0 : i32
    %add3A_31 = vector.broadcast %add3A_30 : i32 to vector<1024x1xi32>
    %add3A_32 = arith.addi %convert_element_type3A_29, %add3A_31 : vector<1024x1xi32>
    %swap3A = arith.constant 0 : index
    %swap3A_33 = arith.constant 0 : index
    %swap3A_34 = vector.load %arg3[%swap3A, %swap3A_33] : memref<1024x4xi32, #tpu.memory_space<vmem>>, vector<1024x1xi32>
    tpu.vector_store %arg3[%swap3A, %swap3A_33], %add3A_32 {strides = array<i32>} : memref<1024x4xi32, #tpu.memory_space<vmem>>, vector<1024x1xi32>,
    %reduce_sum3A_35 = vector.shape_cast %broadcast_in_dim3A_21 : vector<1024x1xf32> to vector<1x1024x1xf32>
    %reduce_sum3A_36 = arith.constant dense<0.000000e+00> : vector<1xf32>
    %reduce_sum3A_37 = vector.multi_reduction <add>, %reduce_sum3A_35, %reduce_sum3A_36 [1, 2] : vector<1x1024x1xf32> to vector<1xf32>
    %reduce_sum3A_38 = vector.shape_cast %reduce_sum3A_37 : vector<1xf32> to vector<1x1x1xf32>
    %reduce_sum3A_39 = vector.extract %reduce_sum3A_38[0, 0, 0] : f32 from vector<1x1x1xf32>
    %reshape3A = vector.broadcast %reduce_sum3A_39 : f32 to vector<1x1xf32>
    %add3A_40 = arith.addf %broadcast_in_dim3A_2, %reshape3A : vector<1x1xf32>
    %get3A_41 = arith.constant 0 : index
    %get3A_42 = arith.constant 32 : index
    %get3A_43 = vector.load %arg1[%get3A_41, %get3A_42] : memref<1024x128xf32, #tpu.memory_space<vmem>>, vector<1024x32xf32>
    %get3A_44 = arith.constant 1 : index
    %get3A_45 = arith.constant 0 : index
    %get3A_46 = arith.constant 0 : index
    %get3A_47 = vector.load %arg2[%get3A_44, %get3A_45, %get3A_46] : memref<4x512x32xf32, #tpu.memory_space<vmem>>, vector<1x512x32xf32>
    %get3A_48 = vector.shape_cast %get3A_47 : vector<1x512x32xf32> to vector<512x32xf32>
    %mul3A_49 = arith.mulf %get3A_43, %get3A_43 : vector<1024x32xf32>
    %reduce_sum3A_50 = arith.constant dense<0.000000e+00> : vector<1024xf32>
    %reduce_sum3A_51 = vector.multi_reduction <add>, %mul3A_49, %reduce_sum3A_50 [1] : vector<1024x32xf32> to vector<1024xf32>
    %broadcast_in_dim3A_52 = vector.shape_cast %reduce_sum3A_51 : vector<1024xf32> to vector<1024x1xf32>
    %get3A_53 = arith.constant 1 : index
    %get3A_54 = arith.constant 0 : index
    %get3A_55 = vector.load %arg5[%get3A_53, %get3A_54] : memref<4x512xf32, #tpu.memory_space<vmem>>, vector<1x512xf32>
    %get3A_56 = vector.shape_cast %get3A_55 : vector<1x512xf32> to vector<512xf32>
    %broadcast_in_dim3A_57 = vector.shape_cast %get3A_56 : vector<512xf32> to vector<1x512xf32>
    %dot_general3A_58 = arith.constant dense<0.000000e+00> : vector<1024x512xf32>
    %dot_general3A_59 = tpu.matmul %get3A_43, %get3A_48, %dot_general3A_58 {dimension_numbers = #tpu.dot_dimension_numbers<[1], [1], [0], [0], [0, 0, 1, 0], [], []>, transpose_lhs_hint = false} : vector<1024x32xf32>, vector<512x32xf32>, vector<1024x512xf32> -> vector<1024x512xf32>
    %add3A_60 = vector.broadcast %broadcast_in_dim3A_52 : vector<1024x1xf32> to vector<1024x512xf32>
    %add3A_61 = vector.broadcast %broadcast_in_dim3A_57 : vector<1x512xf32> to vector<1024x512xf32>
    %add3A_62 = arith.addf %add3A_60, %add3A_61 : vector<1024x512xf32>
    %sub3A_63 = arith.subf %add3A_62, %dot_general3A_59 : vector<1024x512xf32>
    %reduce_min3A_64 = arith.constant dense<0x7F800000> : vector<1024xf32>
    %reduce_min3A_65 = vector.multi_reduction <minimumf>, %sub3A_63, %reduce_min3A_64 [1] : vector<1024x512xf32> to vector<1024xf32>
    %broadcast_in_dim3A_66 = vector.shape_cast %reduce_min3A_65 : vector<1024xf32> to vector<1024x1xf32>
    %iota3A_67 = tpu.iota {dimensions = array<i32: 1>} : vector<1024x512xi32>
    %convert_element_type3A_68 = arith.sitofp %iota3A_67 : vector<1024x512xi32> to vector<1024x512xf32>
    %eq3A_69 = vector.broadcast %broadcast_in_dim3A_66 : vector<1024x1xf32> to vector<1024x512xf32>
    %eq3A_70 = arith.cmpf oeq, %sub3A_63, %eq3A_69 : vector<1024x512xf32>
    %jit3A_71 = arith.constant 2.048000e+03 : f32
    %broadcast_in_dim3A_72 = vector.broadcast %jit3A_71 : f32 to vector<1024x512xf32>
    %select_n3A_73 = arith.select %eq3A_70, %convert_element_type3A_68, %broadcast_in_dim3A_72 : vector<1024x512xi1>, vector<1024x512xf32>
    %reduce_min3A_74 = arith.constant dense<0x7F800000> : vector<1024xf32>
    %reduce_min3A_75 = vector.multi_reduction <minimumf>, %select_n3A_73, %reduce_min3A_74 [1] : vector<1024x512xf32> to vector<1024xf32>
    %broadcast_in_dim3A_76 = vector.shape_cast %reduce_min3A_75 : vector<1024xf32> to vector<1024x1xf32>
    %convert_element_type3A_77 = arith.fptosi %broadcast_in_dim3A_76 : vector<1024x1xf32> to vector<1024x1xi32>
    %add3A_78 = arith.constant 512 : i32
    %add3A_79 = vector.broadcast %add3A_78 : i32 to vector<1024x1xi32>
    %add3A_80 = arith.addi %convert_element_type3A_77, %add3A_79 : vector<1024x1xi32>
    %swap3A_81 = arith.constant 0 : index
    %swap3A_82 = arith.constant 1 : index
    %swap3A_83 = vector.load %arg3[%swap3A_81, %swap3A_82] : memref<1024x4xi32, #tpu.memory_space<vmem>>, vector<1024x1xi32>
    tpu.vector_store %arg3[%swap3A_81, %swap3A_82], %add3A_80 {strides = array<i32>} : memref<1024x4xi32, #tpu.memory_space<vmem>>, vector<1024x1xi32>,
    %reduce_sum3A_84 = vector.shape_cast %broadcast_in_dim3A_66 : vector<1024x1xf32> to vector<1x1024x1xf32>
    %reduce_sum3A_85 = arith.constant dense<0.000000e+00> : vector<1xf32>
    %reduce_sum3A_86 = vector.multi_reduction <add>, %reduce_sum3A_84, %reduce_sum3A_85 [1, 2] : vector<1x1024x1xf32> to vector<1xf32>
    %reduce_sum3A_87 = vector.shape_cast %reduce_sum3A_86 : vector<1xf32> to vector<1x1x1xf32>
    %reduce_sum3A_88 = vector.extract %reduce_sum3A_87[0, 0, 0] : f32 from vector<1x1x1xf32>
    %reshape3A_89 = vector.broadcast %reduce_sum3A_88 : f32 to vector<1x1xf32>
    %add3A_90 = arith.addf %add3A_40, %reshape3A_89 : vector<1x1xf32>
    %get3A_91 = arith.constant 0 : index
    %get3A_92 = arith.constant 64 : index
    %get3A_93 = vector.load %arg1[%get3A_91, %get3A_92] : memref<1024x128xf32, #tpu.memory_space<vmem>>, vector<1024x32xf32>
    %get3A_94 = arith.constant 2 : index
    %get3A_95 = arith.constant 0 : index
    %get3A_96 = arith.constant 0 : index
    %get3A_97 = vector.load %arg2[%get3A_94, %get3A_95, %get3A_96] : memref<4x512x32xf32, #tpu.memory_space<vmem>>, vector<1x512x32xf32>
    %get3A_98 = vector.shape_cast %get3A_97 : vector<1x512x32xf32> to vector<512x32xf32>
    %mul3A_99 = arith.mulf %get3A_93, %get3A_93 : vector<1024x32xf32>
    %reduce_sum3A_100 = arith.constant dense<0.000000e+00> : vector<1024xf32>
    %reduce_sum3A_101 = vector.multi_reduction <add>, %mul3A_99, %reduce_sum3A_100 [1] : vector<1024x32xf32> to vector<1024xf32>
    %broadcast_in_dim3A_102 = vector.shape_cast %reduce_sum3A_101 : vector<1024xf32> to vector<1024x1xf32>
    %get3A_103 = arith.constant 2 : index
    %get3A_104 = arith.constant 0 : index
    %get3A_105 = vector.load %arg5[%get3A_103, %get3A_104] : memref<4x512xf32, #tpu.memory_space<vmem>>, vector<1x512xf32>
    %get3A_106 = vector.shape_cast %get3A_105 : vector<1x512xf32> to vector<512xf32>
    %broadcast_in_dim3A_107 = vector.shape_cast %get3A_106 : vector<512xf32> to vector<1x512xf32>
    %dot_general3A_108 = arith.constant dense<0.000000e+00> : vector<1024x512xf32>
    %dot_general3A_109 = tpu.matmul %get3A_93, %get3A_98, %dot_general3A_108 {dimension_numbers = #tpu.dot_dimension_numbers<[1], [1], [0], [0], [0, 0, 1, 0], [], []>, transpose_lhs_hint = false} : vector<1024x32xf32>, vector<512x32xf32>, vector<1024x512xf32> -> vector<1024x512xf32>
    %add3A_110 = vector.broadcast %broadcast_in_dim3A_102 : vector<1024x1xf32> to vector<1024x512xf32>
    %add3A_111 = vector.broadcast %broadcast_in_dim3A_107 : vector<1x512xf32> to vector<1024x512xf32>
    %add3A_112 = arith.addf %add3A_110, %add3A_111 : vector<1024x512xf32>
    %sub3A_113 = arith.subf %add3A_112, %dot_general3A_109 : vector<1024x512xf32>
    %reduce_min3A_114 = arith.constant dense<0x7F800000> : vector<1024xf32>
    %reduce_min3A_115 = vector.multi_reduction <minimumf>, %sub3A_113, %reduce_min3A_114 [1] : vector<1024x512xf32> to vector<1024xf32>
    %broadcast_in_dim3A_116 = vector.shape_cast %reduce_min3A_115 : vector<1024xf32> to vector<1024x1xf32>
    %iota3A_117 = tpu.iota {dimensions = array<i32: 1>} : vector<1024x512xi32>
    %convert_element_type3A_118 = arith.sitofp %iota3A_117 : vector<1024x512xi32> to vector<1024x512xf32>
    %eq3A_119 = vector.broadcast %broadcast_in_dim3A_116 : vector<1024x1xf32> to vector<1024x512xf32>
    %eq3A_120 = arith.cmpf oeq, %sub3A_113, %eq3A_119 : vector<1024x512xf32>
    %jit3A_121 = arith.constant 2.048000e+03 : f32
    %broadcast_in_dim3A_122 = vector.broadcast %jit3A_121 : f32 to vector<1024x512xf32>
    %select_n3A_123 = arith.select %eq3A_120, %convert_element_type3A_118, %broadcast_in_dim3A_122 : vector<1024x512xi1>, vector<1024x512xf32>
    %reduce_min3A_124 = arith.constant dense<0x7F800000> : vector<1024xf32>
    %reduce_min3A_125 = vector.multi_reduction <minimumf>, %select_n3A_123, %reduce_min3A_124 [1] : vector<1024x512xf32> to vector<1024xf32>
    %broadcast_in_dim3A_126 = vector.shape_cast %reduce_min3A_125 : vector<1024xf32> to vector<1024x1xf32>
    %convert_element_type3A_127 = arith.fptosi %broadcast_in_dim3A_126 : vector<1024x1xf32> to vector<1024x1xi32>
    %add3A_128 = arith.constant 1024 : i32
    %add3A_129 = vector.broadcast %add3A_128 : i32 to vector<1024x1xi32>
    %add3A_130 = arith.addi %convert_element_type3A_127, %add3A_129 : vector<1024x1xi32>
    %swap3A_131 = arith.constant 0 : index
    %swap3A_132 = arith.constant 2 : index
    %swap3A_133 = vector.load %arg3[%swap3A_131, %swap3A_132] : memref<1024x4xi32, #tpu.memory_space<vmem>>, vector<1024x1xi32>
    tpu.vector_store %arg3[%swap3A_131, %swap3A_132], %add3A_130 {strides = array<i32>} : memref<1024x4xi32, #tpu.memory_space<vmem>>, vector<1024x1xi32>,
    %reduce_sum3A_134 = vector.shape_cast %broadcast_in_dim3A_116 : vector<1024x1xf32> to vector<1x1024x1xf32>
    %reduce_sum3A_135 = arith.constant dense<0.000000e+00> : vector<1xf32>
    %reduce_sum3A_136 = vector.multi_reduction <add>, %reduce_sum3A_134, %reduce_sum3A_135 [1, 2] : vector<1x1024x1xf32> to vector<1xf32>
    %reduce_sum3A_137 = vector.shape_cast %reduce_sum3A_136 : vector<1xf32> to vector<1x1x1xf32>
    %reduce_sum3A_138 = vector.extract %reduce_sum3A_137[0, 0, 0] : f32 from vector<1x1x1xf32>
    %reshape3A_139 = vector.broadcast %reduce_sum3A_138 : f32 to vector<1x1xf32>
    %add3A_140 = arith.addf %add3A_90, %reshape3A_139 : vector<1x1xf32>
    %get3A_141 = arith.constant 0 : index
    %get3A_142 = arith.constant 96 : index
    %get3A_143 = vector.load %arg1[%get3A_141, %get3A_142] : memref<1024x128xf32, #tpu.memory_space<vmem>>, vector<1024x32xf32>
    %get3A_144 = arith.constant 3 : index
    %get3A_145 = arith.constant 0 : index
    %get3A_146 = arith.constant 0 : index
    %get3A_147 = vector.load %arg2[%get3A_144, %get3A_145, %get3A_146] : memref<4x512x32xf32, #tpu.memory_space<vmem>>, vector<1x512x32xf32>
    %get3A_148 = vector.shape_cast %get3A_147 : vector<1x512x32xf32> to vector<512x32xf32>
    %mul3A_149 = arith.mulf %get3A_143, %get3A_143 : vector<1024x32xf32>
    %reduce_sum3A_150 = arith.constant dense<0.000000e+00> : vector<1024xf32>
    %reduce_sum3A_151 = vector.multi_reduction <add>, %mul3A_149, %reduce_sum3A_150 [1] : vector<1024x32xf32> to vector<1024xf32>
    %broadcast_in_dim3A_152 = vector.shape_cast %reduce_sum3A_151 : vector<1024xf32> to vector<1024x1xf32>
    %get3A_153 = arith.constant 3 : index
    %get3A_154 = arith.constant 0 : index
    %get3A_155 = vector.load %arg5[%get3A_153, %get3A_154] : memref<4x512xf32, #tpu.memory_space<vmem>>, vector<1x512xf32>
    %get3A_156 = vector.shape_cast %get3A_155 : vector<1x512xf32> to vector<512xf32>
    %broadcast_in_dim3A_157 = vector.shape_cast %get3A_156 : vector<512xf32> to vector<1x512xf32>
    %dot_general3A_158 = arith.constant dense<0.000000e+00> : vector<1024x512xf32>
    %dot_general3A_159 = tpu.matmul %get3A_143, %get3A_148, %dot_general3A_158 {dimension_numbers = #tpu.dot_dimension_numbers<[1], [1], [0], [0], [0, 0, 1, 0], [], []>, transpose_lhs_hint = false} : vector<1024x32xf32>, vector<512x32xf32>, vector<1024x512xf32> -> vector<1024x512xf32>
    %add3A_160 = vector.broadcast %broadcast_in_dim3A_152 : vector<1024x1xf32> to vector<1024x512xf32>
    %add3A_161 = vector.broadcast %broadcast_in_dim3A_157 : vector<1x512xf32> to vector<1024x512xf32>
    %add3A_162 = arith.addf %add3A_160, %add3A_161 : vector<1024x512xf32>
    %sub3A_163 = arith.subf %add3A_162, %dot_general3A_159 : vector<1024x512xf32>
    %reduce_min3A_164 = arith.constant dense<0x7F800000> : vector<1024xf32>
    %reduce_min3A_165 = vector.multi_reduction <minimumf>, %sub3A_163, %reduce_min3A_164 [1] : vector<1024x512xf32> to vector<1024xf32>
    %broadcast_in_dim3A_166 = vector.shape_cast %reduce_min3A_165 : vector<1024xf32> to vector<1024x1xf32>
    %iota3A_167 = tpu.iota {dimensions = array<i32: 1>} : vector<1024x512xi32>
    %convert_element_type3A_168 = arith.sitofp %iota3A_167 : vector<1024x512xi32> to vector<1024x512xf32>
    %eq3A_169 = vector.broadcast %broadcast_in_dim3A_166 : vector<1024x1xf32> to vector<1024x512xf32>
    %eq3A_170 = arith.cmpf oeq, %sub3A_163, %eq3A_169 : vector<1024x512xf32>
    %jit3A_171 = arith.constant 2.048000e+03 : f32
    %broadcast_in_dim3A_172 = vector.broadcast %jit3A_171 : f32 to vector<1024x512xf32>
    %select_n3A_173 = arith.select %eq3A_170, %convert_element_type3A_168, %broadcast_in_dim3A_172 : vector<1024x512xi1>, vector<1024x512xf32>
    %reduce_min3A_174 = arith.constant dense<0x7F800000> : vector<1024xf32>
    %reduce_min3A_175 = vector.multi_reduction <minimumf>, %select_n3A_173, %reduce_min3A_174 [1] : vector<1024x512xf32> to vector<1024xf32>
    %broadcast_in_dim3A_176 = vector.shape_cast %reduce_min3A_175 : vector<1024xf32> to vector<1024x1xf32>
    %convert_element_type3A_177 = arith.fptosi %broadcast_in_dim3A_176 : vector<1024x1xf32> to vector<1024x1xi32>
    %add3A_178 = arith.constant 1536 : i32
    %add3A_179 = vector.broadcast %add3A_178 : i32 to vector<1024x1xi32>
    %add3A_180 = arith.addi %convert_element_type3A_177, %add3A_179 : vector<1024x1xi32>
    %swap3A_181 = arith.constant 0 : index
    %swap3A_182 = arith.constant 3 : index
    %swap3A_183 = vector.load %arg3[%swap3A_181, %swap3A_182] : memref<1024x4xi32, #tpu.memory_space<vmem>>, vector<1024x1xi32>
    tpu.vector_store %arg3[%swap3A_181, %swap3A_182], %add3A_180 {strides = array<i32>} : memref<1024x4xi32, #tpu.memory_space<vmem>>, vector<1024x1xi32>,
    %reduce_sum3A_184 = vector.shape_cast %broadcast_in_dim3A_166 : vector<1024x1xf32> to vector<1x1024x1xf32>
    %reduce_sum3A_185 = arith.constant dense<0.000000e+00> : vector<1xf32>
    %reduce_sum3A_186 = vector.multi_reduction <add>, %reduce_sum3A_184, %reduce_sum3A_185 [1, 2] : vector<1x1024x1xf32> to vector<1xf32>
    %reduce_sum3A_187 = vector.shape_cast %reduce_sum3A_186 : vector<1xf32> to vector<1x1x1xf32>
    %reduce_sum3A_188 = vector.extract %reduce_sum3A_187[0, 0, 0] : f32 from vector<1x1x1xf32>
    %reshape3A_189 = vector.broadcast %reduce_sum3A_188 : f32 to vector<1x1xf32>
    %add3A_190 = arith.addf %add3A_140, %reshape3A_189 : vector<1x1xf32>
    %eq3A_191 = arith.constant 0 : i32
    %eq3A_192 = arith.cmpi eq, %arg0, %eq3A_191 : i32
    %convert_element_type3A_193 = arith.extui %eq3A_192 : i1 to i32
    %cond3A_194 = arith.constant 0 : i32
    %cond3A_195 = arith.cmpi ne, %convert_element_type3A_193, %cond3A_194 : i32
    scf.if %cond3A_195 {
      %broadcast_in_dim3A_203 = arith.constant 0.000000e+00 : f32
      %broadcast_in_dim3A_204 = vector.broadcast %broadcast_in_dim3A_203 : f32 to vector<1x1xf32>
      %swap3A_205 = arith.constant 0 : index
      %swap3A_206 = arith.constant 0 : index
      %swap3A_207 = vector.load %arg4[%swap3A_205, %swap3A_206] : memref<1x1xf32, #tpu.memory_space<vmem>>, vector<1x1xf32>
      tpu.vector_store %arg4[%swap3A_205, %swap3A_206], %broadcast_in_dim3A_204 {strides = array<i32>} : memref<1x1xf32, #tpu.memory_space<vmem>>, vector<1x1xf32>,
    } else {
    }
    %get3A_196 = arith.constant 0 : index
    %get3A_197 = arith.constant 0 : index
    %get3A_198 = vector.load %arg4[%get3A_196, %get3A_197] : memref<1x1xf32, #tpu.memory_space<vmem>>, vector<1x1xf32>
    %add3A_199 = arith.addf %get3A_198, %add3A_190 : vector<1x1xf32>
    %swap3A_200 = arith.constant 0 : index
    %swap3A_201 = arith.constant 0 : index
    %swap3A_202 = vector.load %arg4[%swap3A_200, %swap3A_201] : memref<1x1xf32, #tpu.memory_space<vmem>>, vector<1x1xf32>
    tpu.vector_store %arg4[%swap3A_200, %swap3A_201], %add3A_199 {strides = array<i32>} : memref<1x1xf32, #tpu.memory_space<vmem>>, vector<1x1xf32>,
    return
  }
  func.func @transform_0(%arg0: i32) -> (i32, i32) {
    %c0_i32 = arith.constant 0 : i32
    %c0_i32_0 = arith.constant 0 : i32
    return %arg0, %c0_i32 : i32, i32
  }
  func.func @transform_1(%arg0: i32) -> (i32, i32, i32) {
    %c0_i32 = arith.constant 0 : i32
    %c0_i32_0 = arith.constant 0 : i32
    %c0_i32_1 = arith.constant 0 : i32
    %c0_i32_2 = arith.constant 0 : i32
    return %c0_i32, %c0_i32_0, %c0_i32_1 : i32, i32, i32
  }
  func.func @transform_2(%arg0: i32) -> (i32, i32) {
    %c0_i32 = arith.constant 0 : i32
    %c0_i32_0 = arith.constant 0 : i32
    return %arg0, %c0_i32 : i32, i32
  }
  func.func @transform_3(%arg0: i32) -> (i32, i32) {
    %c0_i32 = arith.constant 0 : i32
    %c0_i32_0 = arith.constant 0 : i32
    %c0_i32_1 = arith.constant 0 : i32
    return %c0_i32, %c0_i32_0 : i32, i32
  }
}

</mosaic_0001>

<sc_bundles>
// kernel: kernel.4.cloned.1.call-start
scs
__scs_entry_jumppad:
0x0: {  	(pc) =	sbr.rel $0x88, $3  }
0x1: {  	(tag) =	ssettag $0x0;
	lr =	simm.s32 $0x1  }
0x2: {  	[smem:$0x3F9F] =	sst lr;
	_ =	strace $0xD0000000  }
0x3: {  	_ = 	snop  }
0x4: {  	_ = 	snop  }
0x5: {  	_ = 	snop  }
0x6: {  	_ = 	snop  }
0x7: {  	_ = 	snop  }
__scs_overlays_trampoline_lowered:
0x8: {  	[smem:$0x3FAE] =	sst s0  }
0x9: {  	[smem:$0x3FAF] =	sst s1  }
0xa: {  	[smem:$0x3FB0] =	sst s2  }
0xb: {  	[smem:$0x3FB1] =	sst s3  }
0xc: {  	[smem:$0x3FB2] =	sst s4  }
0xd: {  	[smem:$0x3FB3] =	sst s5  }
0xe: {  	[smem:$0x3FB4] =	sst s6  }
0xf: {  	[smem:$0x3FB5] =	sst s7  }
0x10: {  	[smem:$0x3FB6] =	sst s8  }
0x11: {  	[smem:$0x3FB7] =	sst s9;
	s0 =	simm.s32 @!p0 $0x0  }
0x12: {  	s1 =	sld [smem:$0x3F9D];
	s0 =	simm.s32 @p0 $0x1  }
0x13: {  	[smem:$0x3FB8] =	sst s0;
	s0 =	simm.s32 @!p1 $0x0  }
0x14: {  	s2 =	sld [smem:$0x3F9C];
	s0 =	simm.s32 @p1 $0x1  }
0x15: {  	[smem:$0x3FB9] =	sst s0;
	s0 =	simm.s32 @!p2 $0x0  }
0x16: {  	s3 =	sld [smem:$0x3FDB];
	s0 =	simm.s32 @p2 $0x1  }
0x17: {  	s4 =	simm.s32 $0x1BF5;
	[smem:$0x3FBB] =	sst s0  }
0x18: {  	s0 =	sld [smem:$0x3F9E];
	_ =	swait.ge [sflag:s4], $0x0  }
0x19: {  	s7 =	sld [smem:$0x3F9F]  }
0x1a: {  	s8 =	sadd.s32 $0xFFFFE003, lr  }
0x1b: {  	s9 =	sadd.s32 $0xFFFFFEF7, lr;
	s5 =	simm.s32 $0xFFFFFFFF;
	p2 =	slt.u32 s8, $0xFFFFF086  }
0x1c: {  	p1 =	slt.u32 s9, $0xF7A;
	s5 =	simm.s32 @!p2 $0x0  }
0x1d: {  	s5 =	simm.s32 @p1 $0x1;
	p0 =	seq.s32 s7, s2  }
0x1e: {  	s7 =	smul.u32 @!p0 $0xF7A, s2;
	p2 =	seq.s32 @!p0 s5, $0x0  }
0x1f: {  	s9 =	smul.u32 $0xF7A, s1;
	s8 =	simm.s32 @!p0 $0x1BF5;
	p2 =	por !p2, p0  }
0x20: {  	[sflag:s8] =	ssyncset.s32 @!p0 $0xFFFFF086;
	s6 =	sadd.s32 @!p0 s3, s7;
	s7 =	simm.s32 @!p0 $0x108  }
0x21: {  	s3 =	sadd.s32 s3, s9;
	s6 =	sadd.s32 @!p0 $0x88, s6;
	s7 =	simm.s32 @p2 $0x1082  }
0x22: {  	[simem:s7], [sflag:s8] =	dma.local @!p0 [hbm:s6], $0xF7A  }
0x23: {  	s9 =	sor.u32 $0xD0000000, s2;
	s6 =	simm.s32 $0x108;
	_ =	swait.ge @!p0 [sflag:s8], $0x0  }
0x24: {  	s3 =	sadd.s32 $0x88, s3;
	s6 =	simm.s32 @!p1 $0x1082;
	[sflag:s4] =	ssyncset.s32 $0xFFFFF086  }
0x25: {  	[simem:s6], [sflag:s4] =	dma.local [hbm:s3], $0xF7A  }
0x26: {  	[smem:$0x3F9F] =	sst s1;
	(tag) =	ssettag s2;
	_ =	strace s9  }
0x27: {  	s1 =	sld [smem:$0x3FAF]  }
0x28: {  	s2 =	sld [smem:$0x3FB0]  }
0x29: {  	s4 =	sld [smem:$0x3FB2]  }
0x2a: {  	p0 =	seq.s32 s5, $0x0;
	s5 =	sld [smem:$0x3FB3]  }
0x2b: {  	s6 =	sld [smem:$0x3FB4]  }
0x2c: {  	s7 =	sld [smem:$0x3FB5]  }
0x2d: {  	s3 =	simm.s32 $0x108;
	s8 =	sld [smem:$0x3FB6]  }
0x2e: {  	s3 =	simm.s32 @!p0 $0x1082;
	s9 =	sld [smem:$0x3FB7]  }
0x2f: {  	lr =	sadd.s32 s0, s3;
	s0 =	sld [smem:$0x3FAE]  }
0x30: {  	s3 =	sld [smem:$0x3FB1]  }
0x31: {  	[smem:$0x3FBA] =	sst s10  }
0x32: {  	s10 =	sld [smem:$0x3FB8];
	_ =	sdelay $0x3  }
0x33: {  	p0 =	seq.s32 s10, $0x1;
	s10 =	sld [smem:$0x3FBA];
	_ =	sdelay $0x3  }
0x34: {  	[smem:$0x3FBA] =	sst s10  }
0x35: {  	s10 =	sld [smem:$0x3FB9];
	_ =	sdelay $0x3  }
0x36: {  	p1 =	seq.s32 s10, $0x1;
	s10 =	sld [smem:$0x3FBA];
	_ =	sdelay $0x3  }
0x37: {  	[smem:$0x3FBA] =	sst s10  }
0x38: {  	s10 =	sld [smem:$0x3FBB]  }
0x39: {  	_ = 	snop;
	(pc) =	sbr.ind lr, $3  }
0x3a: {  	_ = 	snop  }
0x3b: {  	_ = 	snop  }
0x3c: {  	p2 =	seq.s32 s10, $0x1;
	s10 =	sld [smem:$0x3FBA]  }
0x3d: {  	_ =	shalt  }
0x3e: {  	_ =	shalt  }
0x3f: {  	_ =	shalt  }
0x40: {  	_ =	shalt  }
0x41: {  	_ =	shalt  }
0x42: {  	_ =	shalt  }
0x43: {  	_ =	shalt  }
0x44: {  	_ =	shalt  }
0x45: {  	_ =	shalt  }
0x46: {  	_ =	shalt  }
0x47: {  	_ =	shalt  }
0x48: {  	_ =	shalt  }
0x49: {  	_ =	shalt  }
0x4a: {  	_ =	shalt  }
0x4b: {  	_ =	shalt  }
0x4c: {  	_ =	shalt  }
0x4d: {  	_ =	shalt  }
0x4e: {  	_ =	shalt  }
0x4f: {  	_ =	shalt  }
0x50: {  	_ =	shalt  }
0x51: {  	_ =	shalt  }
0x52: {  	_ =	shalt  }
0x53: {  	_ =	shalt  }
0x54: {  	_ =	shalt  }
0x55: {  	_ =	shalt  }
0x56: {  	_ =	shalt  }
0x57: {  	_ =	shalt  }
0x58: {  	_ =	shalt  }
0x59: {  	_ =	shalt  }
0x5a: {  	_ =	shalt  }
0x5b: {  	_ =	shalt  }
0x5c: {  	_ =	shalt  }
0x5d: {  	_ =	shalt  }
0x5e: {  	_ =	shalt  }
0x5f: {  	_ =	shalt  }
0x60: {  	_ =	shalt  }
0x61: {  	_ =	shalt  }
0x62: {  	_ =	shalt  }
0x63: {  	_ =	shalt  }
0x64: {  	_ =	shalt  }
0x65: {  	_ =	shalt  }
0x66: {  	_ =	shalt  }
0x67: {  	_ =	shalt  }
0x68: {  	_ =	shalt  }
0x69: {  	_ =	shalt  }
0x6a: {  	_ =	shalt  }
0x6b: {  	_ =	shalt  }
0x6c: {  	_ =	shalt  }
0x6d: {  	_ =	shalt  }
0x6e: {  	_ =	shalt  }
0x6f: {  	_ =	shalt  }
0x70: {  	_ =	shalt  }
0x71: {  	_ =	shalt  }
0x72: {  	_ =	shalt  }
0x73: {  	_ =	shalt  }
0x74: {  	_ =	shalt  }
0x75: {  	_ =	shalt  }
0x76: {  	_ =	shalt  }
0x77: {  	_ =	shalt  }
0x78: {  	_ =	shalt  }
0x79: {  	_ =	shalt  }
0x7a: {  	_ =	shalt  }
0x7b: {  	_ =	shalt  }
0x7c: {  	_ =	shalt  }
0x7d: {  	_ =	shalt  }
0x7e: {  	_ =	shalt  }
0x7f: {  	_ =	shalt  }
0x80: {  	_ =	shalt  }
0x81: {  	_ =	shalt  }
0x82: {  	_ =	shalt  }
0x83: {  	_ =	shalt  }
0x84: {  	_ =	shalt  }
0x85: {  	_ =	shalt  }
0x86: {  	_ =	shalt  }
0x87: {  	_ =	shalt  }
.Lfunc_end0:
.L_simem_size_0:
called_computation_lowered:
.L_overlay_start_0:
0x88: {  	s2 =	sld [smem:$0x3FD9]  }
0x89: {  	s3 =	sld [smem:$0x3FFE];
	_ =	sdelay $0x1  }
0x8a: {  	s1 =	srdreg.scid  }
0x8b: {  	s0 =	sand.u32 $0x1, s1  }
0x8c: {  	s14 =	sshll.u32 s0, $0xA;
	s2 =	sadd.s32 s3, s2  }
0x8d: {  	s2 =	sadd.s32 s2, s14  }
0x8e: {  	[smem:$0x3FC6] =	sst s2  }
0x8f: {  	_ = 	snop  }
0x90: {  	s2 =	sld [smem:$0x3FD0];
	_ =	sdelay $0x2  }
0x91: {  	s15 =	simm.s32 $0xA;
	s4 =	simm.s32 $0x10  }
0x92: {  	[smem:s4], [sflag:s15] =	dma.local [hbm:s2], $0x1  }
0x93: {  	_ =	swait.eq [sflag:s15], $0x1  }
0x94: {  	[sflag:s15] =	ssyncset.done $0x0  }
0x95: {  	[sflag:s15] =	ssyncadd.s32 $0xFFFFFFFF  }
0x96: {  	s16 =	sld [smem:$0x10];
	(tm) =	ssettm $0x1  }
0x97: {  	s17 =	sld [smem:$0x3FFB];
	_ =	sdelay $0x3  }
0x98: {  	_ =	strace s17  }
0x99: {  	s3 =	sld [smem:$0x3FFC];
	_ =	sdelay $0x3  }
0x9a: {  	_ =	strace s3  }
0x9b: {  	s3 =	sld [smem:$0x3FFD];
	_ =	sdelay $0x3  }
0x9c: {  	_ =	strace s3  }
0x9d: {  	_ =	strace $0x8FFFFFFF  }
0x9e: {  	s18 =	sld [smem:$0x3FDB];
	_ =	sdelay $0x1  }
0x9f: {  	s19 =	simm.s32 $_scs_section_size  }
0xa0: {  	s5 =	simm.s32 $_size__tile_overlayer_lowered;
	s6 =	simm.s32 $_tile_overlayer_lowered  }
0xa1: {  	s22 =	simm.s32 $0x1BFF;
	s21 =	sshll.u32 s6, $0x1;
	s3 =	sadd.s32 s19, s18  }
0xa2: {  	s7 =	simm.s32 $0x0;
	s20 =	sshll.u32 s5, $0x1;
	s5 =	sadd.s32 s21, s3  }
0xa3: {  	[timem:s7], [sflag:s22] =	dma.local [hbm:s5], s20  }
0xa4: {  	_ =	swait.ge [sflag:s22], s20  }
0xa5: {  	s4 =	ssub.s32 $0x0, s20;
	[sflag:s22] =	ssyncset.done $0x0  }
0xa6: {  	[sflag:s22] =	ssyncadd.s32 s4;
	_ =	sdelay $0x1  }
0xa7: {  	s23 =	simm.s32 $0x1B8B  }
0xa8: {  	_ =	swait.ge [sflag:s23], $0x1  }
0xa9: {  	[sflag:s23] =	ssyncset.done $0x0  }
0xaa: {  	s25 =	simm.s32 $0x1B8E;
	s24 =	sld [smem:$0x3FFE];
	[sflag:s23] =	ssyncadd.s32 $0xFFFFFFFF  }
0xab: {  	s26 =	simm.s32 $execute0_lowered;
	[smem:$0x3FD2] =	sst s25  }
0xac: {  	s5 =	sshll.u32 s26, $0x1;
	_ =	strace $0x80000046;
	[dreg:$0x1] =	wrdreg $0xFFFFFFFF  }
0xad: {  	s28 =	simm.s32 $_size_execute0_lowered;
	s3 =	sadd.s32 s3, s5;
	[dreg:$0x0] =	wrdreg $0x0  }
0xae: {  	s5 =	sshll.u32 s28, $0x1;
	[dreg:$0x2] =	wrdreg s3  }
0xaf: {  	[dreg:$0x3] =	wrdreg s5  }
0xb0: {  	[dreg:$0x4] =	wrdreg $0xC0  }
0xb1: {  	_ =	task [dreg:s7], $0x5FFFF  }
0xb2: {  	[dreg:$0x1] =	wrdreg $0xFFFFFFFF  }
0xb3: {  	[dreg:$0x0] =	wrdreg $0x60  }
0xb4: {  	[dreg:$0x2] =	wrdreg s24  }
0xb5: {  	[dreg:$0x3] =	wrdreg s16  }
0xb6: {  	[dreg:$0x4] =	wrdreg $0x9  }
0xb7: {  	_ =	task.clear_ibuf [dreg:s7], $0x5FFFF;
	_ =	strace $0x90000046  }
0xb8: {  	s29 =	simm.s32 $0x9;
	_ =	strace $0x80000048  }
0xb9: {  	_ =	swait.ge [sflag:s29], $0x1  }
0xba: {  	[sflag:s29] =	ssyncadd.s32 $0xFFFFFFFF  }
0xbb: {  	_ =	strace $0x90000048  }
0xbc: {  	_ =	sfence  }
0xbd: {  	s30 =	sld [smem:$0x0];
	_ =	sdelay $0x2  }
0xbe: {  	s31 =	sshll.u32 s1, $0xD;
	s1 =	sshrl.u32 s1, $0x2  }
0xbf: {  	s3 =	sand.u32 $0x4000, s31;
	s1 =	sadd.s32 s1, s30  }
0xc0: {  	s0 =	sor.u32 s3, s0;
	s1 =	sshll.u32 s1, $0x11  }
0xc1: {  	s0 =	sor.u32 s1, s0  }
0xc2: {  	s0 =	sadd.s32 $0x8F2B, s0  }
0xc3: {  	[sflag:s0] =	ssyncadd.remote.s32 $0x1  }
0xc4: {  	_ =	sfence.sel $0xFFFF  }
0xc5: {  	[dreg:$0x0] =	wrdreg $0xFFFFFFFF;
	(pc) =	sbr.abs _section_cstart, $3  }
0xc6: {  	[dreg:$0x1] =	wrdreg $0xFFFFFFFF  }
0xc7: {  	_ =	task.clear_ibuf [dreg:s7], $0x2FFFF;
	_ =	strace $0x9FFFFFFF  }
0xc8: {  	(tm) =	ssettm $0x7FFFFFFF  }
0xc9: {  	_ =	shalt  }
tec
execute0_lowered:
.L_overlay_start_1:
0x0: {  	(tag) =	ssettag $0x1  }
0x1: {  	s1 =	srdreg.scid  }
0x2: {  	s0 =	stileid.u32;
	s10 =	sand.u32 $0x1, s1  }
0x3: {  	s5 =	rddreg [dreg:$0x0];
	s30 =	sshll.u32 s0, $0xD;
	s2 =	sshll.u32 s10, $0xC  }
0x4: {  	s9 =	rddreg [dreg:$0x1];
	s11 =	sor.u32 s2, s30  }
0x5: {  	s1 =	rddreg [dreg:$0x2];
	s2 =	simm.s32 $0x0;
	s3 =	sshrl.u32 s11, $0x3  }
0x6: {  	[smem:$0x7FF] =	sst s2;
	s3 =	sadd.s32 s3, s5  }
0x7: {  	_ =	strace $0x80000047;
	s4 =	sadd.s32 $0x2600, s3;
	s3 =	simm.s32 $0x2  }
0x8: {  	[tilespmem:s2], [sflag:$0x2] =	stream.linear.gather [hbm4b:s4+s2], $0x1000, $0x38;
	[tilespmem:$0x11000] =	vst v63  }
0x9: {  	_ =	swait.ge [sflag:s3], $0x1000  }
0xa: {  	s6 =	simm.s32 $0x800;
	s7 =	simm.s32 $0x1000;
	[sflag:s3] =	ssyncset.done $0x0  }
0xb: {  	s8 =	simm.s32 $0x1;
	s5 =	sadd.s32 $0x600, s5;
	[sflag:s3] =	ssyncadd.s32 $0xFFFFF000  }
0xc: {  	[tilespmem:s7], [sflag:$0x1] =	stream.indirect.gather [hbm4b:s5+s6], $0x20, s2, s6, $0xb8;
	[tilespmem:$0x11000] =	vst v63  }
0xd: {  	_ =	swait.ge [sflag:s8], $0x10000  }
0xe: {  	s11 =	sshll.u32 s11, $0x2;
	[sflag:s8] =	ssyncset.done $0x0  }
0xf: {  	s10 =	ssub.s32 $0x2, s10;
	s9 =	sadd.s32 s9, s11;
	[sflag:s8] =	ssyncadd.s32 $0xFFFF0000  }
0x10: {  	[hbm4b:s9+s2] =	stream.linear.scatter [tilespmem:s7], [sflag:$0x2], $0x10000, $0x38;
	[tilespmem:$0x11000] =	vst v63  }
0x11: {  	s31 =	sshrl.u32 s10, $0x1;
	_ =	swait.ge [sflag:s3], $0x10000  }
0x12: {  	s11 =	ssub.s32 s10, s31;
	[sflag:s3] =	ssyncset.done $0x0  }
0x13: {  	s11 =	smax.u32 s11, $0x1;
	[sflag:s3] =	ssyncadd.s32 $0xFFFF0000  }
0x14: {  	[tilespmem:s7], [sflag:$0x1] =	stream.indirect.gather [hbm4b:s5+s6], $0x20, s6, s6, $0xb8;
	[tilespmem:$0x11000] =	vst v63  }
0x15: {  	p0 =	sne.s32 s11, $0x1;
	_ =	swait.ge [sflag:s8], $0x10000  }
.Ltmp0:
0x16: {  	[sflag:s8] =	ssyncset.done $0x0;
	(pc) =	sbr.rel @!p0 .LBB2_2-.Ltmp0, $4  }
0x17: {  	s10 =	sadd.s32 $0x2000, s9;
	[sflag:s8] =	ssyncadd.s32 $0xFFFF0000  }
0x18: {  	[hbm4b:s10+s2] =	stream.linear.scatter [tilespmem:s7], [sflag:$0x2], $0x10000, $0x38;
	[tilespmem:$0x11000] =	vst v63  }
0x19: {  	_ =	swait.ge [sflag:s3], $0x10000  }
0x1a: {  	s11 =	sadd.s32 $0xFFFFFFFF, s11;
	[sflag:s3] =	ssyncset.done $0x0  }
.LBB2_1:
0x1b: {  	p0 =	sne.s32 s11, $0x1;
	s11 =	sadd.s32 $0xFFFFFFFF, s11;
	[sflag:s3] =	ssyncadd.s32 $0xFFFF0000  }
0x1c: {  	[tilespmem:s2], [sflag:$0x2] =	stream.linear.gather [hbm4b:s4+s2], $0x1000, $0x38;
	[tilespmem:$0x11000] =	vst v63  }
0x1d: {  	_ =	swait.ge [sflag:s3], $0x1000  }
0x1e: {  	[sflag:s3] =	ssyncset.done $0x0  }
0x1f: {  	[sflag:s3] =	ssyncadd.s32 $0xFFFFF000  }
0x20: {  	[tilespmem:s7], [sflag:$0x1] =	stream.indirect.gather [hbm4b:s5+s6], $0x20, s2, s6, $0xb8;
	[tilespmem:$0x11000] =	vst v63  }
0x21: {  	_ =	swait.ge [sflag:s8], $0x10000  }
0x22: {  	[sflag:s8] =	ssyncset.done $0x0  }
0x23: {  	[sflag:s8] =	ssyncadd.s32 $0xFFFF0000  }
0x24: {  	[hbm4b:s9+s2] =	stream.linear.scatter [tilespmem:s7], [sflag:$0x2], $0x10000, $0x38;
	[tilespmem:$0x11000] =	vst v63  }
0x25: {  	_ =	swait.ge [sflag:s3], $0x10000  }
0x26: {  	[sflag:s3] =	ssyncset.done $0x0  }
0x27: {  	[sflag:s3] =	ssyncadd.s32 $0xFFFF0000  }
0x28: {  	[tilespmem:s7], [sflag:$0x1] =	stream.indirect.gather [hbm4b:s5+s6], $0x20, s6, s6, $0xb8;
	[tilespmem:$0x11000] =	vst v63  }
0x29: {  	_ =	swait.ge [sflag:s8], $0x10000  }
.Ltmp1:
0x2a: {  	[sflag:s8] =	ssyncset.done $0x0;
	(pc) =	sbr.rel @p0 .LBB2_1-.Ltmp1, $4  }
0x2b: {  	[sflag:s8] =	ssyncadd.s32 $0xFFFF0000  }
0x2c: {  	[hbm4b:s10+s2] =	stream.linear.scatter [tilespmem:s7], [sflag:$0x2], $0x10000, $0x38;
	[tilespmem:$0x11000] =	vst v63  }
0x2d: {  	_ =	swait.ge [sflag:s3], $0x10000  }
0x2e: {  	[sflag:s3] =	ssyncset.done $0x0  }
.LBB2_2:
0x2f: {  	[sflag:s3] =	ssyncadd.s32 $0xFFFF0000  }
0x30: {  	_ =	sfence.sel $0x180000  }
0x31: {  	[bflag:$0x0] =	sbarrier.arrive $0xFFFF  }
0x32: {  	p0 =	sne.s32 s0, $0x0;
	_ =	strace $0x90000047  }
0x33: {  	s0 =	sadd.s32 @!p0 $0x100000, s1;
	[bflag:$0x2] =	sbarrier.arrive $0xFFFF  }
0x34: {  	[sflag:s0] =	ssyncadd.tile.s32 @!p0 $0x1;
	_ =	shalt  }
.Lfunc_end2:
_tile_overlayer_lowered:
.L_overlay_start_2:
0x35: {  	(tag) =	ssettag $0x2  }
0x36: {  	s0 =	rddreg [dreg:$0x0];
	s2 =	stileid.u32  }
0x37: {  	s1 =	rddreg [dreg:$0x1];
	p0 =	sne.s32 s2, $0x0  }
0x38: {  	s3 =	rddreg [dreg:$0x2];
	[bflag:$0x3] =	sbarrier.arrive $0xFFFF;
	s2 =	simm.s32 @!p0 $0x1C02  }
0x39: {  	[timem:s3], [sflag:s2] =	dma.local @!p0 [hbm:s0], s1  }
0x3a: {  	s0 =	simm.s32 @!p0 $0x2  }
0x3b: {  	_ =	swait.ge @!p0 [sflag:s0], s1  }
0x3c: {  	s1 =	ssub.s32 @!p0 $0x0, s1;
	[sflag:s0] =	ssyncset.done @!p0 $0x0  }
0x3d: {  	[sflag:s0] =	ssyncadd.s32 @!p0 s1  }
0x3e: {  	[bflag:$0x3] =	sbarrier.arrive $0xFFFF  }
0x3f: {  	_ =	shalt  }

</sc_bundles>
